<compile_context>
chip_gen: v7x
topology: tpu7x:2x2x1
jax: 0.10.2.dev20260603
libtpu: 0.0.44.dev20260713+nightly
codegen_flags: <defaults>
</compile_context>

<pallas_src>
import jax
import jax.numpy as jnp
from jax.experimental import pallas as pl
from jax.experimental.pallas import tpu as pltpu

VOCAB = 8192
SUB = 8
LANE = VOCAB // SUB
ROWS_PER_STEP = 8


def _body(x_sref, t_sref, *refs):
    R = ROWS_PER_STEP
    in_refs = refs[:R]
    out_ref = refs[R]
    loss_ref = refs[R + 1]
    acc_ref = refs[R + 2]
    i = pl.program_id(0)
    nsteps = pl.num_programs(0)

    block = jnp.concatenate([r[...] for r in in_refs], axis=0)
    out_ref[...] = block

    m = jnp.max(block, axis=(1, 2), keepdims=True)
    e = jnp.exp(block - m)
    s = jnp.sum(e, axis=(1, 2), keepdims=True)
    lse = (m + jnp.log(s)).reshape(R)

    tvec = jnp.stack([t_sref[i * R + j] for j in range(R)])
    sub_iota = jax.lax.broadcasted_iota(jnp.int32, (R, SUB, LANE), 1)
    lane_iota = jax.lax.broadcasted_iota(jnp.int32, (R, SUB, LANE), 2)
    tcol = tvec[:, None, None]
    mask = (sub_iota == tcol // LANE) & (lane_iota == tcol % LANE)
    tl = jnp.sum(jnp.where(mask, block, 0.0), axis=(1, 2))

    step_nll = jnp.sum(lse - tl)
    prev = jnp.where(i == 0, 0.0, acc_ref[0])
    total = prev + step_nll
    acc_ref[0] = total

    @pl.when(i == nsteps - 1)
    def _():
        loss_ref[0, 0] = total / (nsteps * R)


def kernel(x, targets, embed_weight):
    B, T = x.shape
    N = B * T
    R = ROWS_PER_STEP
    x_flat = x.reshape(N).astype(jnp.int32)
    t_flat = targets.reshape(N).astype(jnp.int32)

    def make_in_spec(j):
        return pl.BlockSpec(
            (1, SUB, LANE),
            lambda i, xs, ts, j=j: (xs[i * R + j], 0, 0),
        )

    grid_spec = pltpu.PrefetchScalarGridSpec(
        num_scalar_prefetch=2,
        grid=(N // R,),
        in_specs=[make_in_spec(j) for j in range(R)],
        out_specs=[
            pl.BlockSpec((R, SUB, LANE), lambda i, xs, ts: (i, 0, 0)),
            pl.BlockSpec(memory_space=pltpu.SMEM),
        ],
        scratch_shapes=[pltpu.SMEM((1,), jnp.float32)],
    )

    logits3, loss = pl.pallas_call(
        _body,
        grid_spec=grid_spec,
        out_shape=[
            jax.ShapeDtypeStruct((N, SUB, LANE), jnp.float32),
            jax.ShapeDtypeStruct((1, 1), jnp.float32),
        ],
    )(x_flat, t_flat, *([embed_weight.reshape(VOCAB, SUB, LANE)] * R))

    return (logits3.reshape(N, VOCAB), loss[0, 0])

# --- scband reference (transcript-rebuilt; emitter-appended) ---
"""Pipeline reference for scband-bigram-model-27642409517462 (READ-ONLY COPY).

The authoritative reference and input builder live on the scoring server;
editing this copy changes nothing except your own understanding.
"""

import jax, jax.numpy as jnp
import numpy as np

VOCAB = 8192
B, T = 16, 512

def setup_inputs(seed: int = 0) -> dict:
    key = jax.random.key(seed)
    k1, k2, k3 = jax.random.split(key, 3)
    x = jax.random.randint(k1, (B, T), 0, VOCAB, dtype=jnp.int64)
    targets = jax.random.randint(k2, (B, T), 0, VOCAB, dtype=jnp.int64)
    embed_weight = jax.random.normal(k3, (VOCAB, VOCAB), dtype=jnp.float32) * 0.02
    return {"x": x, "targets": targets, "embed_weight": embed_weight}

def reference(x, targets, embed_weight):
    # nn.Embedding lookup: [B, T] -> [B, T, V]
    logits = jnp.take(embed_weight, x, axis=0)
    # F.softmax over last dim (computed in the original forward; unused when targets given)
    probs = jax.nn.softmax(logits, axis=-1)
    Bb, Tt, V = logits.shape
    logits2 = logits.reshape(Bb * Tt, V)
    t = targets.reshape(Bb * Tt)
    # F.cross_entropy = mean over rows of -log_softmax(logits)[target]
    logp = jax.nn.log_softmax(logits2, axis=-1)
    nll = -jnp.take_along_axis(logp, t[:, None], axis=1)[:, 0]
    loss = jnp.mean(nll)
    return (logits2, loss)

if __name__ == "__main__":
    import jax
    _d = setup_inputs()
    print(jax.jit(kernel)(*tuple(_d.values())))

</pallas_src>

<mosaic_0001>
module attributes {stable_mosaic.version = 14 : i64} {
  func.func @_body(%arg0: i32, %arg1: memref<8192xi32, #tpu.memory_space<smem>>, %arg2: memref<8192xi32, #tpu.memory_space<smem>>, %arg3: memref<1x8x1024xf32, #tpu.memory_space<vmem>>, %arg4: memref<1x8x1024xf32, #tpu.memory_space<vmem>>, %arg5: memref<1x8x1024xf32, #tpu.memory_space<vmem>>, %arg6: memref<1x8x1024xf32, #tpu.memory_space<vmem>>, %arg7: memref<1x8x1024xf32, #tpu.memory_space<vmem>>, %arg8: memref<1x8x1024xf32, #tpu.memory_space<vmem>>, %arg9: memref<1x8x1024xf32, #tpu.memory_space<vmem>>, %arg10: memref<1x8x1024xf32, #tpu.memory_space<vmem>>, %arg11: memref<8x8x1024xf32, #tpu.memory_space<vmem>>, %arg12: memref<1x1xf32, #tpu.memory_space<smem>>, %arg13: memref<1xf32, #tpu.memory_space<smem>>) attributes {dimension_semantics = [#tpu.dimension_semantics<arbitrary>], iteration_bounds = array<i64: 1024>, scalar_prefetch = 2 : i64, scratch_operands = 1 : i64, tpu.core_type = #tpu.core_type<tc>, window_params = [{transform_indices = @transform_0, window_bounds = array<i64: 1, 8, 1024>}, {transform_indices = @transform_1, window_bounds = array<i64: 1, 8, 1024>}, {transform_indices = @transform_2, window_bounds = array<i64: 1, 8, 1024>}, {transform_indices = @transform_3, window_bounds = array<i64: 1, 8, 1024>}, {transform_indices = @transform_4, window_bounds = array<i64: 1, 8, 1024>}, {transform_indices = @transform_5, window_bounds = array<i64: 1, 8, 1024>}, {transform_indices = @transform_6, window_bounds = array<i64: 1, 8, 1024>}, {transform_indices = @transform_7, window_bounds = array<i64: 1, 8, 1024>}, {transform_indices = @transform_8, window_bounds = array<i64: 8, 8, 1024>}, {transform_indices = @transform_9, window_bounds = array<i64: 1, 1>}]} {
    %get3A = arith.constant 0 : index
    %get3A_0 = arith.constant 0 : index
    %get3A_1 = arith.constant 0 : index
    %get3A_2 = vector.load %arg3[%get3A, %get3A_0, %get3A_1] : memref<1x8x1024xf32, #tpu.memory_space<vmem>>, vector<1x8x1024xf32>
    %get3A_3 = arith.constant 0 : index
    %get3A_4 = arith.constant 0 : index
    %get3A_5 = arith.constant 0 : index
    %get3A_6 = vector.load %arg4[%get3A_3, %get3A_4, %get3A_5] : memref<1x8x1024xf32, #tpu.memory_space<vmem>>, vector<1x8x1024xf32>
    %get3A_7 = arith.constant 0 : index
    %get3A_8 = arith.constant 0 : index
    %get3A_9 = arith.constant 0 : index
    %get3A_10 = vector.load %arg5[%get3A_7, %get3A_8, %get3A_9] : memref<1x8x1024xf32, #tpu.memory_space<vmem>>, vector<1x8x1024xf32>
    %get3A_11 = arith.constant 0 : index
    %get3A_12 = arith.constant 0 : index
    %get3A_13 = arith.constant 0 : index
    %get3A_14 = vector.load %arg6[%get3A_11, %get3A_12, %get3A_13] : memref<1x8x1024xf32, #tpu.memory_space<vmem>>, vector<1x8x1024xf32>
    %get3A_15 = arith.constant 0 : index
    %get3A_16 = arith.constant 0 : index
    %get3A_17 = arith.constant 0 : index
    %get3A_18 = vector.load %arg7[%get3A_15, %get3A_16, %get3A_17] : memref<1x8x1024xf32, #tpu.memory_space<vmem>>, vector<1x8x1024xf32>
    %get3A_19 = arith.constant 0 : index
    %get3A_20 = arith.constant 0 : index
    %get3A_21 = arith.constant 0 : index
    %get3A_22 = vector.load %arg8[%get3A_19, %get3A_20, %get3A_21] : memref<1x8x1024xf32, #tpu.memory_space<vmem>>, vector<1x8x1024xf32>
    %get3A_23 = arith.constant 0 : index
    %get3A_24 = arith.constant 0 : index
    %get3A_25 = arith.constant 0 : index
    %get3A_26 = vector.load %arg9[%get3A_23, %get3A_24, %get3A_25] : memref<1x8x1024xf32, #tpu.memory_space<vmem>>, vector<1x8x1024xf32>
    %get3A_27 = arith.constant 0 : index
    %get3A_28 = arith.constant 0 : index
    %get3A_29 = arith.constant 0 : index
    %get3A_30 = vector.load %arg10[%get3A_27, %get3A_28, %get3A_29] : memref<1x8x1024xf32, #tpu.memory_space<vmem>>, vector<1x8x1024xf32>
    %concatenate3A = tpu.concatenate %get3A_2, %get3A_6, %get3A_10, %get3A_14, %get3A_18, %get3A_22, %get3A_26, %get3A_30 in 0 : vector<1x8x1024xf32>, vector<1x8x1024xf32>, vector<1x8x1024xf32>, vector<1x8x1024xf32>, vector<1x8x1024xf32>, vector<1x8x1024xf32>, vector<1x8x1024xf32>, vector<1x8x1024xf32> -> vector<8x8x1024xf32>
    %swap3A = arith.constant 0 : index
    %swap3A_31 = arith.constant 0 : index
    %swap3A_32 = arith.constant 0 : index
    %swap3A_33 = vector.load %arg11[%swap3A, %swap3A_31, %swap3A_32] : memref<8x8x1024xf32, #tpu.memory_space<vmem>>, vector<8x8x1024xf32>
    tpu.vector_store %arg11[%swap3A, %swap3A_31, %swap3A_32], %concatenate3A {strides = array<i32>} : memref<8x8x1024xf32, #tpu.memory_space<vmem>>, vector<8x8x1024xf32>,
    %reduce_max3A = arith.constant dense<0xFF800000> : vector<8xf32>
    %reduce_max3A_34 = vector.multi_reduction <maximumf>, %concatenate3A, %reduce_max3A [1, 2] : vector<8x8x1024xf32> to vector<8xf32>
    %broadcast_in_dim3A = vector.shape_cast %reduce_max3A_34 : vector<8xf32> to vector<8x1x1xf32>
    %sub3A = vector.broadcast %broadcast_in_dim3A : vector<8x1x1xf32> to vector<8x8x1024xf32>
    %sub3A_35 = arith.subf %concatenate3A, %sub3A : vector<8x8x1024xf32>
    %exp3A = math.exp %sub3A_35 : vector<8x8x1024xf32>
    %reduce_sum3A = arith.constant dense<0.000000e+00> : vector<8xf32>
    %reduce_sum3A_36 = vector.multi_reduction <add>, %exp3A, %reduce_sum3A [1, 2] : vector<8x8x1024xf32> to vector<8xf32>
    %broadcast_in_dim3A_37 = vector.shape_cast %reduce_sum3A_36 : vector<8xf32> to vector<8x1x1xf32>
    %log3A = math.log %broadcast_in_dim3A_37 : vector<8x1x1xf32>
    %add3A = arith.addf %broadcast_in_dim3A, %log3A : vector<8x1x1xf32>
    %reshape3A = vector.shape_cast %add3A : vector<8x1x1xf32> to vector<8xf32>
    %mul3A = arith.constant 8 : i32
    %mul3A_38 = arith.muli %arg0, %mul3A : i32
    %add3A_39 = arith.constant 0 : i32
    %add3A_40 = arith.addi %mul3A_38, %add3A_39 : i32
    %get3A_41 = arith.index_cast %add3A_40 : i32 to index
    %get3A_42 = memref.load %arg2[%get3A_41] : memref<8192xi32, #tpu.memory_space<smem>>
    %mul3A_43 = arith.constant 8 : i32
    %mul3A_44 = arith.muli %arg0, %mul3A_43 : i32
    %add3A_45 = arith.constant 1 : i32
    %add3A_46 = arith.addi %mul3A_44, %add3A_45 : i32
    %get3A_47 = arith.index_cast %add3A_46 : i32 to index
    %get3A_48 = memref.load %arg2[%get3A_47] : memref<8192xi32, #tpu.memory_space<smem>>
    %mul3A_49 = arith.constant 8 : i32
    %mul3A_50 = arith.muli %arg0, %mul3A_49 : i32
    %add3A_51 = arith.constant 2 : i32
    %add3A_52 = arith.addi %mul3A_50, %add3A_51 : i32
    %get3A_53 = arith.index_cast %add3A_52 : i32 to index
    %get3A_54 = memref.load %arg2[%get3A_53] : memref<8192xi32, #tpu.memory_space<smem>>
    %mul3A_55 = arith.constant 8 : i32
    %mul3A_56 = arith.muli %arg0, %mul3A_55 : i32
    %add3A_57 = arith.constant 3 : i32
    %add3A_58 = arith.addi %mul3A_56, %add3A_57 : i32
    %get3A_59 = arith.index_cast %add3A_58 : i32 to index
    %get3A_60 = memref.load %arg2[%get3A_59] : memref<8192xi32, #tpu.memory_space<smem>>
    %mul3A_61 = arith.constant 8 : i32
    %mul3A_62 = arith.muli %arg0, %mul3A_61 : i32
    %add3A_63 = arith.constant 4 : i32
    %add3A_64 = arith.addi %mul3A_62, %add3A_63 : i32
    %get3A_65 = arith.index_cast %add3A_64 : i32 to index
    %get3A_66 = memref.load %arg2[%get3A_65] : memref<8192xi32, #tpu.memory_space<smem>>
    %mul3A_67 = arith.constant 8 : i32
    %mul3A_68 = arith.muli %arg0, %mul3A_67 : i32
    %add3A_69 = arith.constant 5 : i32
    %add3A_70 = arith.addi %mul3A_68, %add3A_69 : i32
    %get3A_71 = arith.index_cast %add3A_70 : i32 to index
    %get3A_72 = memref.load %arg2[%get3A_71] : memref<8192xi32, #tpu.memory_space<smem>>
    %mul3A_73 = arith.constant 8 : i32
    %mul3A_74 = arith.muli %arg0, %mul3A_73 : i32
    %add3A_75 = arith.constant 6 : i32
    %add3A_76 = arith.addi %mul3A_74, %add3A_75 : i32
    %get3A_77 = arith.index_cast %add3A_76 : i32 to index
    %get3A_78 = memref.load %arg2[%get3A_77] : memref<8192xi32, #tpu.memory_space<smem>>
    %mul3A_79 = arith.constant 8 : i32
    %mul3A_80 = arith.muli %arg0, %mul3A_79 : i32
    %add3A_81 = arith.constant 7 : i32
    %add3A_82 = arith.addi %mul3A_80, %add3A_81 : i32
    %get3A_83 = arith.index_cast %add3A_82 : i32 to index
    %get3A_84 = memref.load %arg2[%get3A_83] : memref<8192xi32, #tpu.memory_space<smem>>
    %stack3A = vector.broadcast %get3A_42 : i32 to vector<1xi32>
    %stack3A_85 = vector.broadcast %get3A_48 : i32 to vector<1xi32>
    %stack3A_86 = vector.broadcast %get3A_54 : i32 to vector<1xi32>
    %stack3A_87 = vector.broadcast %get3A_60 : i32 to vector<1xi32>
    %stack3A_88 = vector.broadcast %get3A_66 : i32 to vector<1xi32>
    %stack3A_89 = vector.broadcast %get3A_72 : i32 to vector<1xi32>
    %stack3A_90 = vector.broadcast %get3A_78 : i32 to vector<1xi32>
    %stack3A_91 = vector.broadcast %get3A_84 : i32 to vector<1xi32>
    %stack3A_92 = tpu.concatenate %stack3A, %stack3A_85, %stack3A_86, %stack3A_87, %stack3A_88, %stack3A_89, %stack3A_90, %stack3A_91 in 0 : vector<1xi32>, vector<1xi32>, vector<1xi32>, vector<1xi32>, vector<1xi32>, vector<1xi32>, vector<1xi32>, vector<1xi32> -> vector<8xi32>
    %iota3A = tpu.iota {dimensions = array<i32: 1>} : vector<8x8x1024xi32>
    %iota3A_93 = tpu.iota {dimensions = array<i32: 2>} : vector<8x8x1024xi32>
    %broadcast_in_dim3A_94 = vector.shape_cast %stack3A_92 : vector<8xi32> to vector<8x1x1xi32>
    %jit3A = arith.constant 1024 : i32
    %div3A = vector.broadcast %jit3A : i32 to vector<8x1x1xi32>
    %div3A_95 = arith.divsi %broadcast_in_dim3A_94, %div3A : vector<8x1x1xi32>
    %sign3A = arith.constant 0 : i32
    %sign3A_96 = vector.broadcast %sign3A : i32 to vector<8x1x1xi32>
    %sign3A_97 = arith.cmpi sgt, %broadcast_in_dim3A_94, %sign3A_96 : vector<8x1x1xi32>
    %sign3A_98 = arith.extui %sign3A_97 : vector<8x1x1xi1> to vector<8x1x1xi32>
    %sign3A_99 = arith.constant 0 : i32
    %sign3A_100 = vector.broadcast %sign3A_99 : i32 to vector<8x1x1xi32>
    %sign3A_101 = arith.cmpi slt, %broadcast_in_dim3A_94, %sign3A_100 : vector<8x1x1xi32>
    %sign3A_102 = arith.extui %sign3A_101 : vector<8x1x1xi1> to vector<8x1x1xi32>
    %sign3A_103 = arith.subi %sign3A_98, %sign3A_102 : vector<8x1x1xi32>
    %sign3A_104 = arith.constant 0 : i32
    %sign3A_105 = arith.cmpi sgt, %jit3A, %sign3A_104 : i32
    %sign3A_106 = arith.extui %sign3A_105 : i1 to i32
    %sign3A_107 = arith.constant 0 : i32
    %sign3A_108 = arith.cmpi slt, %jit3A, %sign3A_107 : i32
    %sign3A_109 = arith.extui %sign3A_108 : i1 to i32
    %sign3A_110 = arith.subi %sign3A_106, %sign3A_109 : i32
    %ne3A = vector.broadcast %sign3A_110 : i32 to vector<8x1x1xi32>
    %ne3A_111 = arith.cmpi ne, %sign3A_103, %ne3A : vector<8x1x1xi32>
    %rem3A = vector.broadcast %jit3A : i32 to vector<8x1x1xi32>
    %rem3A_112 = arith.remsi %broadcast_in_dim3A_94, %rem3A : vector<8x1x1xi32>
    %ne3A_113 = arith.constant 0 : i32
    %ne3A_114 = vector.broadcast %ne3A_113 : i32 to vector<8x1x1xi32>
    %ne3A_115 = arith.cmpi ne, %rem3A_112, %ne3A_114 : vector<8x1x1xi32>
    %and3A = arith.andi %ne3A_111, %ne3A_115 : vector<8x1x1xi1>
    %sub3A_116 = arith.constant 1 : i32
    %sub3A_117 = vector.broadcast %sub3A_116 : i32 to vector<8x1x1xi32>
    %sub3A_118 = arith.subi %div3A_95, %sub3A_117 : vector<8x1x1xi32>
    %select_n3A = arith.select %and3A, %sub3A_118, %div3A_95 : vector<8x1x1xi1>, vector<8x1x1xi32>
    %eq3A = vector.broadcast %select_n3A : vector<8x1x1xi32> to vector<8x8x1024xi32>
    %eq3A_119 = arith.cmpi eq, %iota3A, %eq3A : vector<8x8x1024xi32>
    %jit3A_120 = arith.constant 1024 : i32
    %eq3A_121 = arith.constant 0 : i32
    %eq3A_122 = arith.cmpi eq, %jit3A_120, %eq3A_121 : i32
    %jit3A_123 = arith.constant 1 : i32
    %select_n3A_124 = arith.select %eq3A_122, %jit3A_123, %jit3A_120 : i32
    %rem3A_125 = vector.broadcast %select_n3A_124 : i32 to vector<8x1x1xi32>
    %rem3A_126 = arith.remsi %broadcast_in_dim3A_94, %rem3A_125 : vector<8x1x1xi32>
    %ne3A_127 = arith.constant 0 : i32
    %ne3A_128 = vector.broadcast %ne3A_127 : i32 to vector<8x1x1xi32>
    %ne3A_129 = arith.cmpi ne, %rem3A_126, %ne3A_128 : vector<8x1x1xi32>
    %lt3A = arith.constant 0 : i32
    %lt3A_130 = vector.broadcast %lt3A : i32 to vector<8x1x1xi32>
    %lt3A_131 = arith.cmpi slt, %rem3A_126, %lt3A_130 : vector<8x1x1xi32>
    %lt3A_132 = arith.constant 0 : i32
    %lt3A_133 = arith.cmpi slt, %select_n3A_124, %lt3A_132 : i32
    %ne3A_134 = vector.broadcast %lt3A_133 : i1 to vector<8x1x1xi1>
    %ne3A_135 = vector.broadcast %ne3A_134 : vector<8x1x1xi1> to vector<8x1x1xi1>
    %ne3A_136 = arith.xori %lt3A_131, %ne3A_135 : vector<8x1x1xi1>
    %and3A_137 = arith.andi %ne3A_136, %ne3A_129 : vector<8x1x1xi1>
    %add3A_138 = vector.broadcast %select_n3A_124 : i32 to vector<8x1x1xi32>
    %add3A_139 = arith.addi %rem3A_126, %add3A_138 : vector<8x1x1xi32>
    %select_n3A_140 = arith.select %and3A_137, %add3A_139, %rem3A_126 : vector<8x1x1xi1>, vector<8x1x1xi32>
    %eq3A_141 = vector.broadcast %select_n3A_140 : vector<8x1x1xi32> to vector<8x8x1024xi32>
    %eq3A_142 = arith.cmpi eq, %iota3A_93, %eq3A_141 : vector<8x8x1024xi32>
    %and3A_143 = arith.andi %eq3A_119, %eq3A_142 : vector<8x8x1024xi1>
    %jit3A_144 = arith.constant 0.000000e+00 : f32
    %broadcast_in_dim3A_145 = vector.broadcast %jit3A_144 : f32 to vector<8x8x1024xf32>
    %select_n3A_146 = arith.select %and3A_143, %concatenate3A, %broadcast_in_dim3A_145 : vector<8x8x1024xi1>, vector<8x8x1024xf32>
    %reduce_sum3A_147 = arith.constant dense<0.000000e+00> : vector<8xf32>
    %reduce_sum3A_148 = vector.multi_reduction <add>, %select_n3A_146, %reduce_sum3A_147 [1, 2] : vector<8x8x1024xf32> to vector<8xf32>
    %sub3A_149 = arith.subf %reshape3A, %reduce_sum3A_148 : vector<8xf32>
    %reduce_sum3A_150 = vector.shape_cast %sub3A_149 : vector<8xf32> to vector<1x8xf32>
    %reduce_sum3A_151 = arith.constant dense<0.000000e+00> : vector<1xf32>
    %reduce_sum3A_152 = vector.multi_reduction <add>, %reduce_sum3A_150, %reduce_sum3A_151 [1] : vector<1x8xf32> to vector<1xf32>
    %reduce_sum3A_153 = vector.shape_cast %reduce_sum3A_152 : vector<1xf32> to vector<1x1xf32>
    %reduce_sum3A_154 = vector.extract %reduce_sum3A_153[0, 0] : f32 from vector<1x1xf32>
    %eq3A_155 = arith.constant 0 : i32
    %eq3A_156 = arith.cmpi eq, %arg0, %eq3A_155 : i32
    %get3A_157 = arith.constant 0 : index
    %get3A_158 = memref.load %arg13[%get3A_157] : memref<1xf32, #tpu.memory_space<smem>>
    %jit3A_159 = arith.constant 0.000000e+00 : f32
    %select_n3A_160 = arith.select %eq3A_156, %jit3A_159, %get3A_158 : f32
    %add3A_161 = arith.addf %select_n3A_160, %reduce_sum3A_154 : f32
    %swap3A_162 = arith.constant 0 : index
    %swap3A_163 = memref.load %arg13[%swap3A_162] : memref<1xf32, #tpu.memory_space<smem>>
    memref.store %add3A_161, %arg13[%swap3A_162] : memref<1xf32, #tpu.memory_space<smem>>
    %eq3A_164 = arith.constant 1023 : i32
    %eq3A_165 = arith.cmpi eq, %arg0, %eq3A_164 : i32
    %convert_element_type3A = arith.extui %eq3A_165 : i1 to i32
    %cond3A = arith.constant 0 : i32
    %cond3A_166 = arith.cmpi ne, %convert_element_type3A, %cond3A : i32
    scf.if %cond3A_166 {
      %div3A_167 = arith.constant 8.192000e+03 : f32
      %div3A_168 = arith.divf %add3A_161, %div3A_167 : f32
      %swap3A_169 = arith.constant 0 : index
      %swap3A_170 = arith.constant 0 : index
      %swap3A_171 = memref.load %arg12[%swap3A_169, %swap3A_170] : memref<1x1xf32, #tpu.memory_space<smem>>
      memref.store %div3A_168, %arg12[%swap3A_169, %swap3A_170] : memref<1x1xf32, #tpu.memory_space<smem>>
    } else {
    }
    return
  }
  func.func @transform_0(%arg0: i32, %arg1: memref<8192xi32, #tpu.memory_space<smem>>, %arg2: memref<8192xi32, #tpu.memory_space<smem>>) -> (i32, i32, i32) {
    %mul3A = arith.constant 8 : i32
    %mul3A_0 = arith.muli %arg0, %mul3A : i32
    %add3A = arith.constant 0 : i32
    %add3A_1 = arith.addi %mul3A_0, %add3A : i32
    %get3A = arith.index_cast %add3A_1 : i32 to index
    %get3A_2 = memref.load %arg1[%get3A] : memref<8192xi32, #tpu.memory_space<smem>>
    %c0_i32 = arith.constant 0 : i32
    %c0_i32_3 = arith.constant 0 : i32
    %c0_i32_4 = arith.constant 0 : i32
    return %get3A_2, %c0_i32, %c0_i32_3 : i32, i32, i32
  }
  func.func @transform_1(%arg0: i32, %arg1: memref<8192xi32, #tpu.memory_space<smem>>, %arg2: memref<8192xi32, #tpu.memory_space<smem>>) -> (i32, i32, i32) {
    %mul3A = arith.constant 8 : i32
    %mul3A_0 = arith.muli %arg0, %mul3A : i32
    %add3A = arith.constant 1 : i32
    %add3A_1 = arith.addi %mul3A_0, %add3A : i32
    %get3A = arith.index_cast %add3A_1 : i32 to index
    %get3A_2 = memref.load %arg1[%get3A] : memref<8192xi32, #tpu.memory_space<smem>>
    %c0_i32 = arith.constant 0 : i32
    %c0_i32_3 = arith.constant 0 : i32
    %c0_i32_4 = arith.constant 0 : i32
    return %get3A_2, %c0_i32, %c0_i32_3 : i32, i32, i32
  }
  func.func @transform_2(%arg0: i32, %arg1: memref<8192xi32, #tpu.memory_space<smem>>, %arg2: memref<8192xi32, #tpu.memory_space<smem>>) -> (i32, i32, i32) {
    %mul3A = arith.constant 8 : i32
    %mul3A_0 = arith.muli %arg0, %mul3A : i32
    %add3A = arith.constant 2 : i32
    %add3A_1 = arith.addi %mul3A_0, %add3A : i32
    %get3A = arith.index_cast %add3A_1 : i32 to index
    %get3A_2 = memref.load %arg1[%get3A] : memref<8192xi32, #tpu.memory_space<smem>>
    %c0_i32 = arith.constant 0 : i32
    %c0_i32_3 = arith.constant 0 : i32
    %c0_i32_4 = arith.constant 0 : i32
    return %get3A_2, %c0_i32, %c0_i32_3 : i32, i32, i32
  }
  func.func @transform_3(%arg0: i32, %arg1: memref<8192xi32, #tpu.memory_space<smem>>, %arg2: memref<8192xi32, #tpu.memory_space<smem>>) -> (i32, i32, i32) {
    %mul3A = arith.constant 8 : i32
    %mul3A_0 = arith.muli %arg0, %mul3A : i32
    %add3A = arith.constant 3 : i32
    %add3A_1 = arith.addi %mul3A_0, %add3A : i32
    %get3A = arith.index_cast %add3A_1 : i32 to index
    %get3A_2 = memref.load %arg1[%get3A] : memref<8192xi32, #tpu.memory_space<smem>>
    %c0_i32 = arith.constant 0 : i32
    %c0_i32_3 = arith.constant 0 : i32
    %c0_i32_4 = arith.constant 0 : i32
    return %get3A_2, %c0_i32, %c0_i32_3 : i32, i32, i32
  }
  func.func @transform_4(%arg0: i32, %arg1: memref<8192xi32, #tpu.memory_space<smem>>, %arg2: memref<8192xi32, #tpu.memory_space<smem>>) -> (i32, i32, i32) {
    %mul3A = arith.constant 8 : i32
    %mul3A_0 = arith.muli %arg0, %mul3A : i32
    %add3A = arith.constant 4 : i32
    %add3A_1 = arith.addi %mul3A_0, %add3A : i32
    %get3A = arith.index_cast %add3A_1 : i32 to index
    %get3A_2 = memref.load %arg1[%get3A] : memref<8192xi32, #tpu.memory_space<smem>>
    %c0_i32 = arith.constant 0 : i32
    %c0_i32_3 = arith.constant 0 : i32
    %c0_i32_4 = arith.constant 0 : i32
    return %get3A_2, %c0_i32, %c0_i32_3 : i32, i32, i32
  }
  func.func @transform_5(%arg0: i32, %arg1: memref<8192xi32, #tpu.memory_space<smem>>, %arg2: memref<8192xi32, #tpu.memory_space<smem>>) -> (i32, i32, i32) {
    %mul3A = arith.constant 8 : i32
    %mul3A_0 = arith.muli %arg0, %mul3A : i32
    %add3A = arith.constant 5 : i32
    %add3A_1 = arith.addi %mul3A_0, %add3A : i32
    %get3A = arith.index_cast %add3A_1 : i32 to index
    %get3A_2 = memref.load %arg1[%get3A] : memref<8192xi32, #tpu.memory_space<smem>>
    %c0_i32 = arith.constant 0 : i32
    %c0_i32_3 = arith.constant 0 : i32
    %c0_i32_4 = arith.constant 0 : i32
    return %get3A_2, %c0_i32, %c0_i32_3 : i32, i32, i32
  }
  func.func @transform_6(%arg0: i32, %arg1: memref<8192xi32, #tpu.memory_space<smem>>, %arg2: memref<8192xi32, #tpu.memory_space<smem>>) -> (i32, i32, i32) {
    %mul3A = arith.constant 8 : i32
    %mul3A_0 = arith.muli %arg0, %mul3A : i32
    %add3A = arith.constant 6 : i32
    %add3A_1 = arith.addi %mul3A_0, %add3A : i32
    %get3A = arith.index_cast %add3A_1 : i32 to index
    %get3A_2 = memref.load %arg1[%get3A] : memref<8192xi32, #tpu.memory_space<smem>>
    %c0_i32 = arith.constant 0 : i32
    %c0_i32_3 = arith.constant 0 : i32
    %c0_i32_4 = arith.constant 0 : i32
    return %get3A_2, %c0_i32, %c0_i32_3 : i32, i32, i32
  }
  func.func @transform_7(%arg0: i32, %arg1: memref<8192xi32, #tpu.memory_space<smem>>, %arg2: memref<8192xi32, #tpu.memory_space<smem>>) -> (i32, i32, i32) {
    %mul3A = arith.constant 8 : i32
    %mul3A_0 = arith.muli %arg0, %mul3A : i32
    %add3A = arith.constant 7 : i32
    %add3A_1 = arith.addi %mul3A_0, %add3A : i32
    %get3A = arith.index_cast %add3A_1 : i32 to index
    %get3A_2 = memref.load %arg1[%get3A] : memref<8192xi32, #tpu.memory_space<smem>>
    %c0_i32 = arith.constant 0 : i32
    %c0_i32_3 = arith.constant 0 : i32
    %c0_i32_4 = arith.constant 0 : i32
    return %get3A_2, %c0_i32, %c0_i32_3 : i32, i32, i32
  }
  func.func @transform_8(%arg0: i32, %arg1: memref<8192xi32, #tpu.memory_space<smem>>, %arg2: memref<8192xi32, #tpu.memory_space<smem>>) -> (i32, i32, i32) {
    %c0_i32 = arith.constant 0 : i32
    %c0_i32_0 = arith.constant 0 : i32
    %c0_i32_1 = arith.constant 0 : i32
    return %arg0, %c0_i32, %c0_i32_0 : i32, i32, i32
  }
  func.func @transform_9(%arg0: i32, %arg1: memref<8192xi32, #tpu.memory_space<smem>>, %arg2: memref<8192xi32, #tpu.memory_space<smem>>) -> (i32, i32) {
    %c0_i32 = arith.constant 0 : i32
    %c0_i32_0 = arith.constant 0 : i32
    %c0_i32_1 = arith.constant 0 : i32
    return %c0_i32, %c0_i32_0 : i32, i32
  }
}

</mosaic_0001>

<sc_bundles>
// kernel: sparse-core-data-format-call.1.cloned.1.call-start
scs
called_computation.1_lowered:
.L_overlay_start_0:
0x0: {  	s2 =	sld [smem:$0x3FD9]  }
0x1: {  	s3 =	sld [smem:$0x3FFE];
	_ =	sdelay $0x1  }
0x2: {  	s1 =	srdreg.scid  }
0x3: {  	s0 =	sand.u32 $0x1, s1  }
0x4: {  	s16 =	sshll.u32 s0, $0xA;
	s2 =	sadd.s32 s3, s2  }
0x5: {  	s2 =	sadd.s32 s2, s16  }
0x6: {  	[smem:$0x3FC5] =	sst s2  }
0x7: {  	_ = 	snop  }
0x8: {  	s2 =	sld [smem:$0x3FD0];
	_ =	sdelay $0x2  }
0x9: {  	s4 =	simm.s32 $0xA;
	s5 =	simm.s32 $0x10;
	s17 =	sld [smem:$0x3FC7]  }
0xa: {  	[smem:s5], [sflag:s4] =	dma.local [hbm:s2], $0x1  }
0xb: {  	_ =	swait.eq [sflag:s4], $0x1  }
0xc: {  	[sflag:s4] =	ssyncset.done $0x0  }
0xd: {  	[sflag:s4] =	ssyncadd.s32 $0xFFFFFFFF  }
0xe: {  	s18 =	sld [smem:$0x10];
	(tm) =	ssettm $0x1  }
0xf: {  	s19 =	sld [smem:$0x3FFB];
	_ =	sdelay $0x3  }
0x10: {  	_ =	strace s19  }
0x11: {  	s4 =	sld [smem:$0x3FFC];
	_ =	sdelay $0x3  }
0x12: {  	_ =	strace s4  }
0x13: {  	s4 =	sld [smem:$0x3FFD];
	_ =	sdelay $0x3  }
0x14: {  	_ =	strace s4  }
0x15: {  	_ =	strace $0x8FFFFFFF  }
0x16: {  	s20 =	sld [smem:$0x3FDB];
	_ =	sdelay $0x1  }
0x17: {  	s21 =	simm.s32 $_scs_section_size  }
0x18: {  	s6 =	simm.s32 $_size__tile_overlayer_lowered;
	s7 =	simm.s32 $_tile_overlayer_lowered  }
0x19: {  	s24 =	simm.s32 $0x1BFF;
	s23 =	sshll.u32 s7, $0x1;
	s4 =	sadd.s32 s21, s20  }
0x1a: {  	s8 =	simm.s32 $0x0;
	s22 =	sshll.u32 s6, $0x1;
	s6 =	sadd.s32 s23, s4  }
0x1b: {  	[timem:s8], [sflag:s24] =	dma.local [hbm:s6], s22  }
0x1c: {  	_ =	swait.ge [sflag:s24], s22  }
0x1d: {  	s5 =	ssub.s32 $0x0, s22;
	[sflag:s24] =	ssyncset.done $0x0  }
0x1e: {  	[sflag:s24] =	ssyncadd.s32 s5;
	_ =	sdelay $0x1  }
0x1f: {  	s25 =	simm.s32 $0x1B8B  }
0x20: {  	_ =	swait.ge [sflag:s25], $0x1  }
0x21: {  	[sflag:s25] =	ssyncset.done $0x0  }
0x22: {  	s26 =	simm.s32 $0x1B8E;
	[sflag:s25] =	ssyncadd.s32 $0xFFFFFFFF  }
0x23: {  	s27 =	simm.s32 $execute0_lowered;
	[smem:$0x3FD2] =	sst s26  }
0x24: {  	s5 =	sshll.u32 s27, $0x1;
	_ =	strace $0x80000046;
	[dreg:$0x1] =	wrdreg $0xFFFFFFFF  }
0x25: {  	s28 =	simm.s32 $_size_execute0_lowered;
	s4 =	sadd.s32 s4, s5;
	[dreg:$0x0] =	wrdreg $0x0  }
0x26: {  	s5 =	sshll.u32 s28, $0x1;
	[dreg:$0x2] =	wrdreg s4  }
0x27: {  	[dreg:$0x3] =	wrdreg s5  }
0x28: {  	[dreg:$0x4] =	wrdreg $0xC0  }
0x29: {  	_ =	task [dreg:s8], $0x5FFFF  }
0x2a: {  	[dreg:$0x1] =	wrdreg $0xFFFFFFFF  }
0x2b: {  	[dreg:$0x0] =	wrdreg $0x60  }
0x2c: {  	[dreg:$0x2] =	wrdreg s17  }
0x2d: {  	[dreg:$0x3] =	wrdreg s18  }
0x2e: {  	[dreg:$0x4] =	wrdreg $0x9  }
0x2f: {  	_ =	task.clear_ibuf [dreg:s8], $0x5FFFF;
	_ =	strace $0x90000046  }
0x30: {  	s29 =	simm.s32 $0x9;
	_ =	strace $0x80000048  }
0x31: {  	_ =	swait.ge [sflag:s29], $0x1  }
0x32: {  	[sflag:s29] =	ssyncadd.s32 $0xFFFFFFFF  }
0x33: {  	_ =	strace $0x90000048  }
0x34: {  	_ =	sfence  }
0x35: {  	s30 =	sld [smem:$0x0];
	_ =	sdelay $0x2  }
0x36: {  	s31 =	sshll.u32 s1, $0xD;
	s1 =	sshrl.u32 s1, $0x2  }
0x37: {  	s3 =	sand.u32 $0x4000, s31;
	s1 =	sadd.s32 s1, s30  }
0x38: {  	s0 =	sor.u32 s3, s0;
	s1 =	sshll.u32 s1, $0x11  }
0x39: {  	s0 =	sor.u32 s1, s0  }
0x3a: {  	s0 =	sadd.s32 $0x8F2B, s0  }
0x3b: {  	[sflag:s0] =	ssyncadd.remote.s32 $0x1  }
0x3c: {  	_ =	sfence.sel $0xFFFF  }
0x3d: {  	[dreg:$0x0] =	wrdreg $0xFFFFFFFF;
	(pc) =	sbr.abs _section_cstart, $3  }
0x3e: {  	[dreg:$0x1] =	wrdreg $0xFFFFFFFF  }
0x3f: {  	_ =	task.clear_ibuf [dreg:s8], $0x2FFFF;
	_ =	strace $0x9FFFFFFF  }
0x40: {  	(tm) =	ssettm $0x7FFFFFFF  }
0x41: {  	_ =	shalt  }
tec
execute0_lowered:
.L_overlay_start_1:
0x0: {  	(tag) =	ssettag $0x1  }
0x1: {  	s2 =	rddreg [dreg:$0x0]  }
0x2: {  	s3 =	rddreg [dreg:$0x1]  }
0x3: {  	s0 =	rddreg [dreg:$0x2];
	_ =	strace $0x80000047;
	s4 =	srdreg.scid  }
0x4: {  	s1 =	stileid.u32;
	s6 =	simm.s32 $0x2;
	s12 =	simm.s32 $0x0  }
0x5: {  	p0 =	por $0x0, $0x0;
	s13 =	simm.s32 $0x0;
	s15 =	simm.s32 $0x0  }
.Ltmp0:
0x6: {  	s14 =	simm.s32 $0x0;
	s8 =	simm.s32 $0x0;
	(pc) =	sbr.rel .LBB1_1-.Ltmp0, $4  }
0x7: {  	s9 =	simm.s32 $0x0;
	s10 =	simm.s32 $0x0;
	s5 =	sshll.u32 s4, $0x4  }
0x8: {  	s7 =	simm.s32 $0x0;
	s4 =	simm.s32 $0x1;
	s5 =	sand.u32 $0x10, s5  }
0x9: {  	s21 =	simm.s32 $0x0;
	[sflag:s4] =	ssyncpa.u1 $0x0;
	s5 =	sor.u32 s1, s5  }
0xa: {  	[sflag:s6] =	ssyncpa.u1 $0x0;
	s6 =	simm.s32 $0x2000;
	s11 =	smov.u32 s5  }
.LBB1_7:
0xb: {  	s16 =	sadd.s32 $0x100, s8  }
0xc: {  	s12 =	sadd.s32 $0x8, s9;
	s17 =	smov.u32 s9;
	p2 =	sgt.s32 s16, $0x3FF  }
0xd: {  	s17 =	smov.u32 @p2 s12  }
0xe: {  	s18 =	smov.u32 s10;
	s12 =	sadd.s32 $0x8, s10;
	p3 =	sgt.s32 s17, $0x7  }
0xf: {  	s18 =	smov.u32 @p3 s12  }
0x10: {  	s19 =	smov.u32 s11;
	s12 =	sadd.s32 $0x20, s11;
	p4 =	sgt.s32 s18, $0x7  }
0x11: {  	p1 =	slt.u32 s7, $0x2;
	s19 =	smov.u32 @p4 s12  }
0x12: {  	s7 =	sadd.s32 $0x1, s7;
	s16 =	simm.s32 @p2 $0x0;
	p2 =	sgt.s32 s19, $0x3FF  }
0x13: {  	s20 =	simm.s32 @!p1 $0x2;
	s19 =	smov.u32 @p2 s5;
	p2 =	sne.s32 s7, $0x82  }
.Ltmp1:
0x14: {  	s13 =	smov.u32 s9;
	_ =	swait.ge @!p1 [sflag:s20], $0x4000;
	(pc) =	sbr.rel @!p2 .LBB1_8-.Ltmp1, $4  }
0x15: {  	s15 =	smov.u32 s10;
	s14 =	smov.u32 s11;
	[sflag:s20] =	ssyncset.done @!p1 $0x0  }
0x16: {  	p0 =	por !p0, !p0;
	s17 =	simm.s32 @p3 $0x0;
	[sflag:s20] =	ssyncadd.s32 @!p1 $0xFFFFC000  }
0x17: {  	s9 =	smov.u32 s17;
	s18 =	simm.s32 @p4 $0x0;
	s12 =	smov.u32 s8  }
0x18: {  	s8 =	smov.u32 s16;
	s10 =	smov.u32 s18;
	s11 =	smov.u32 s19  }
.LBB1_1:
0x19: {  	p1 =	sgt.u32 s7, $0x7F  }
0x1a: {  	s16 =	sxor.u32 @!p1 $0xFFFFFFFF, s7  }
0x1b: {  	s17 =	sshll.u32 @!p1 s9, $0x7;
	s18 =	sand.u32 @!p1 $0x78, s8;
	s19 =	sshll.u32 @!p1 s11, $0xD  }
0x1c: {  	s20 =	sand.u32 @!p1 $0x380, s8;
	s16 =	sshll.u32 @!p1 s16, $0xE;
	s17 =	sand.u32 @!p1 $0x380, s17  }
0x1d: {  	s19 =	sadd.s32 @!p1 s2, s19;
	s17 =	sor.u32 @!p1 s18, s17;
	s18 =	sshll.u32 @!p1 s10, $0xA  }
0x1e: {  	s16 =	sand.u32 @!p1 $0x4000, s16;
	s18 =	sadd.s32 @!p1 s18, s19;
	s19 =	sand.u32 @!p1 $0x7, s8  }
0x1f: {  	s17 =	sshrl.u32 @!p1 s17, $0x3;
	s18 =	sadd.s32 @!p1 s20, s18;
	s19 =	sshll.u32 @!p1 s19, $0x12  }
0x20: {  	s17 =	sadd.s32 @!p1 s17, s18;
	s18 =	sor.u32 @!p1 $0x800, s19;
	s19 =	simm.s32 @!p1 $0x2000  }
0x21: {  	[tilespmem:s16], [sflag:$0x1] =	stream.strided.gather @!p1 [hbm4b:s17+s18], $0x4000, s19, s18, $0x38;
	[tilespmem:$0x10000] =	vst v63  }
0x22: {  	p1 =	seq.s32 s7, $0x0  }
0x23: {  	p2 =	seq.s32 @!p1 s7, $0x81  }
0x24: {  	p1 =	por p1, p2  }
.Ltmp2:
0x25: {  	_ = 	snop;
	(pc) =	sbr.rel @p1 .LBB1_7-.Ltmp2, $1  }
0x26: {  	_ =	sdelay $0x3  }
0x27: {  	s16 =	simm.s32 $0x1  }
0x28: {  	_ =	swait.ge [sflag:s4], $0x4000;
	s31 =	sshll.u32 s7, $0xE;
	p1 =	por $0x0, $0x0  }
0x29: {  	s22 =	simm.s32 $0x0;
	s23 =	simm.s32 $0x0;
	s16 =	simm.s32 @!p0 $0x0  }
0x2a: {  	[sflag:s4] =	ssyncset.done $0x0;
	s19 =	sand.u32 $0x4000, s31;
	s16 =	sshll.u32 s16, $0x10  }
0x2b: {  	[sflag:s4] =	ssyncadd.s32 $0xFFFFC000;
	s20 =	sshrl.u32 s16, $0x2;
	s16 =	sor.u32 $0x8000, s19  }
0x2c: {  	s17 =	sor.u32 $0x40, s20;
	s18 =	sor.u32 $0x8410, s20;
	s20 =	sadd.s32 $0x8400, s20  }
.LBB1_3:
0x2d: {  	v1 =	vld [tilespmem:s17+$0xFFFFFFD0]  }
0x2e: {  	v2 =	vld [tilespmem:s17+$0x430]  }
0x2f: {  	s24 =	sshll.u32 s23, $0xB;
	v4 =	vld [tilespmem:s17+$0xFFFFFFE0]  }
0x30: {  	v7 =	vld [tilespmem:s17+$0xFFFFFFF0];
	v0 =	vmov s24  }
0x31: {  	v8 =	vld [tilespmem:s17+$0x0]  }
0x32: {  	s30 =	sand.u32 $0x300, s21;
	v9 =	vld [tilespmem:s17+$0x10]  }
0x33: {  	s25 =	sand.u32 $0x80, s21;
	v10 =	vld [tilespmem:s17+$0x20];
	s24 =	sadd.s32 s30, s19  }
0x34: {  	v11 =	vld [tilespmem:s17+$0x30];
	s24 =	sadd.s32 s25, s24;
	s25 =	simm.s32 $0x1;
	[tilespmem:s18+$0x60] =	vst v2  }
0x35: {  	s31 =	sshll.u32 s22, $0x2;
	s25 =	simm.s32 @!p1 $0x0;
	[tilespmem:s18+$0xFFFFFC00] =	vst v1;
	v3 =	vld.idx.msk [tilespmem:v0+s24+$0x400 ss:$0x1], $0xffff  }
0x36: {  	v6 =	vld [tilespmem:s17+$0x3D0];
	s25 =	sshll.u32 s25, $0x9;
	[tilespmem:s18+$0xFFFFFC10] =	vst v4;
	s24 =	sand.u32 $0xFFFFFC00, s31  }
0x37: {  	v5 =	vld [tilespmem:s17+$0x3E0];
	[tilespmem:s18+$0xFFFFFC20] =	vst v7;
	s24 =	sor.u32 s25, s24  }
0x38: {  	[tilespmem:s18+$0xFFFFFC30] =	vst v8;
	v4 =	vld [tilespmem:s17+$0x400];
	s24 =	sshrl.u32 s24, $0x2  }
0x39: {  	[tilespmem:s18+$0xFFFFFC40] =	vst v9;
	v1 =	vld [tilespmem:s17+$0x410];
	s24 =	sadd.s32 s24, s20  }
0x3a: {  	[tilespmem:s24+$0x0] =	vst v3;
	v3 =	vld [tilespmem:s17+$0x3F0]  }
0x3b: {  	s28 =	simm.s32 $0x80;
	s27 =	simm.s32 $0x100;
	[tilespmem:s18+$0xFFFFFC50] =	vst v10;
	v2 =	vld [tilespmem:s17+$0x420]  }
0x3c: {  	s26 =	smov.u32 s18;
	s29 =	sand.u32 $0x300, s28;
	v7 =	vld [tilespmem:s17+$0xFFFFFFC0];
	[tilespmem:s18+$0xFFFFFC60] =	vst v11;
	s25 =	sadd.s32 $0x80, s17  }
.LBB1_4:
0x3d: {  	p2 =	sne.s32 s27, $0x380;
	v8 =	vld [tilespmem:s25+$0xFFFFFFD0];
	s28 =	sand.u32 $0x80, s28;
	s29 =	sadd.s32 s29, s19;
	[tilespmem:s26+$0x0] =	vst v6  }
0x3e: {  	s29 =	sadd.s32 s28, s29;
	v6 =	vld [tilespmem:s25+$0x430];
	[tilespmem:s26+$0x10] =	vst v5;
	s28 =	smov.u32 s27  }
0x3f: {  	v5 =	vld.idx.msk [tilespmem:v0+s29+$0x400 ss:$0x1], $0xffff;
	[tilespmem:s26+$0x20] =	vst v3  }
0x40: {  	v3 =	vld [tilespmem:s25+$0xFFFFFFE0];
	[tilespmem:s26+$0x30] =	vst v4  }
0x41: {  	v4 =	vld [tilespmem:s25+$0xFFFFFFF0];
	[tilespmem:s26+$0xFFFFFBF0] =	vst v7  }
0x42: {  	v7 =	vld [tilespmem:s25+$0x0];
	[tilespmem:s26+$0x40] =	vst v1  }
0x43: {  	v1 =	vld [tilespmem:s25+$0x10];
	[tilespmem:s26+$0x50] =	vst v2;
	s26 =	sadd.s32 $0x800, s26  }
0x44: {  	s24 =	sadd.s32 $0x800, s24;
	v2 =	vld [tilespmem:s25+$0x20];
	[tilespmem:s26+$0x60] =	vst v6  }
0x45: {  	v9 =	vld [tilespmem:s25+$0x30];
	[tilespmem:s24+$0x0] =	vst v5  }
0x46: {  	[tilespmem:s26+$0xFFFFFC00] =	vst v8;
	v6 =	vld [tilespmem:s25+$0x3D0]  }
0x47: {  	[tilespmem:s26+$0xFFFFFC10] =	vst v3;
	v5 =	vld [tilespmem:s25+$0x3E0]  }
.Ltmp3:
0x48: {  	[tilespmem:s26+$0xFFFFFC20] =	vst v4;
	v3 =	vld [tilespmem:s25+$0x3F0];
	(pc) =	sbr.rel @p2 .LBB1_4-.Ltmp3, $4  }
0x49: {  	[tilespmem:s26+$0xFFFFFC30] =	vst v7;
	v4 =	vld [tilespmem:s25+$0x400]  }
0x4a: {  	[tilespmem:s26+$0xFFFFFC40] =	vst v1;
	v1 =	vld [tilespmem:s25+$0x410]  }
0x4b: {  	[tilespmem:s26+$0xFFFFFC50] =	vst v2;
	v2 =	vld [tilespmem:s25+$0x420]  }
0x4c: {  	s27 =	sadd.s32 $0x80, s27;
	s29 =	sand.u32 $0x300, s28;
	v7 =	vld [tilespmem:s25+$0xFFFFFFC0];
	[tilespmem:s26+$0xFFFFFC60] =	vst v9;
	s25 =	sadd.s32 $0x80, s25  }
0x4d: {  	[tilespmem:s26+$0x0] =	vst v6  }
0x4e: {  	[tilespmem:s26+$0x10] =	vst v5  }
0x4f: {  	v49 =	vld [tilespmem:s25+$0x430];
	[tilespmem:s26+$0x20] =	vst v3  }
0x50: {  	v50 =	vld [tilespmem:s25+$0xFFFFFFD0];
	[tilespmem:s26+$0x30] =	vst v4  }
0x51: {  	v51 =	vld [tilespmem:s25+$0xFFFFFFE0];
	[tilespmem:s26+$0x40] =	vst v1  }
0x52: {  	v52 =	vld [tilespmem:s25+$0xFFFFFFF0];
	[tilespmem:s26+$0x50] =	vst v2  }
0x53: {  	s31 =	sadd.s32 $0x800, s26;
	v53 =	vld [tilespmem:s25+$0x0];
	[tilespmem:s26+$0xFFFFFBF0] =	vst v7  }
0x54: {  	v54 =	vld [tilespmem:s25+$0x10];
	[tilespmem:s31+$0x60] =	vst v49  }
0x55: {  	v55 =	vld [tilespmem:s25+$0x20];
	[tilespmem:s31+$0xFFFFFC00] =	vst v50  }
0x56: {  	v56 =	vld [tilespmem:s25+$0x30];
	[tilespmem:s31+$0xFFFFFC10] =	vst v51  }
0x57: {  	v57 =	vld [tilespmem:s25+$0x3D0];
	[tilespmem:s31+$0xFFFFFC20] =	vst v52  }
0x58: {  	v58 =	vld [tilespmem:s25+$0x3E0];
	[tilespmem:s31+$0xFFFFFC30] =	vst v53  }
0x59: {  	v59 =	vld [tilespmem:s25+$0x3F0];
	[tilespmem:s31+$0xFFFFFC40] =	vst v54  }
0x5a: {  	v60 =	vld [tilespmem:s25+$0x400];
	[tilespmem:s31+$0xFFFFFC50] =	vst v55  }
0x5b: {  	v61 =	vld [tilespmem:s25+$0xFFFFFFC0];
	[tilespmem:s31+$0xFFFFFC60] =	vst v56  }
0x5c: {  	s27 =	sand.u32 $0x80, s28;
	s30 =	sadd.s32 s29, s19;
	v62 =	vld [tilespmem:s25+$0x410];
	[tilespmem:s31+$0x0] =	vst v57  }
0x5d: {  	v63 =	vld [tilespmem:s25+$0x420];
	s23 =	sadd.s32 $0x1, s23;
	s27 =	sadd.s32 s27, s30;
	[tilespmem:s31+$0x10] =	vst v58  }
0x5e: {  	p2 =	sne.s32 s23, $0x8;
	v0 =	vld.idx.msk [tilespmem:v0+s27+$0x400 ss:$0x1], $0xffff;
	[tilespmem:s31+$0x20] =	vst v59  }
.Ltmp4:
0x5f: {  	[tilespmem:s31+$0x30] =	vst v60;
	(pc) =	sbr.rel @p2 .LBB1_3-.Ltmp4, $4  }
0x60: {  	[tilespmem:s31+$0xFFFFFBF0] =	vst v61  }
0x61: {  	[tilespmem:s31+$0x40] =	vst v62  }
0x62: {  	s24 =	sadd.s32 $0x800, s24;
	s17 =	sadd.s32 $0x800, s17;
	[tilespmem:s31+$0x50] =	vst v63  }
0x63: {  	s22 =	sadd.s32 $0x80, s22;
	p1 =	por !p1, !p1;
	s18 =	sadd.s32 $0x80, s18;
	[tilespmem:s24+$0x0] =	vst v0  }
0x64: {  	s15 =	sshll.u32 s15, $0x7;
	s17 =	sand.u32 $0x78, s12  }
0x65: {  	s14 =	sshll.u32 s14, $0xD;
	s13 =	sshll.u32 s13, $0xA;
	s29 =	sand.u32 $0x380, s12  }
.Ltmp5:
0x66: {  	s15 =	sand.u32 $0x380, s15;
	s14 =	sadd.s32 s3, s14;
	(pc) =	sbr.rel .LBB1_7-.Ltmp5, $4  }
0x67: {  	s30 =	sand.u32 $0x7, s12;
	s15 =	sor.u32 s15, s17;
	s13 =	sadd.s32 s13, s14  }
0x68: {  	s12 =	sshll.u32 s30, $0x12;
	s31 =	sshrl.u32 s15, $0x3;
	s13 =	sadd.s32 s29, s13  }
0x69: {  	s12 =	sor.u32 $0x800, s12;
	s13 =	sadd.s32 s31, s13  }
0x6a: {  	[hbm4b:s13+s12] =	stream.strided.scatter [tilespmem:s16], [sflag:$0x2], $0x4000, s6, s12, $0x38;
	[tilespmem:$0x10000] =	vst v63  }
.LBB1_8:
0x6b: {  	_ =	sfence.sel $0x180000  }
0x6c: {  	s2 =	simm.s32 $0x1;
	[bflag:$0x0] =	sbarrier.arrive $0xFFFF  }
0x6d: {  	s31 =	simm.s32 $0x2;
	[sflag:s2] =	ssyncpa.u1 $0x1  }
0x6e: {  	[sflag:s31] =	ssyncpa.u1 $0x1  }
0x6f: {  	p0 =	sne.s32 s1, $0x0;
	_ =	strace $0x90000047  }
0x70: {  	s0 =	sadd.s32 @!p0 $0x100000, s0;
	[bflag:$0x2] =	sbarrier.arrive $0xFFFF  }
0x71: {  	[sflag:s0] =	ssyncadd.tile.s32 @!p0 $0x1;
	_ =	shalt  }
.Lfunc_end1:
_tile_overlayer_lowered:
.L_overlay_start_2:
0x72: {  	(tag) =	ssettag $0x2  }
0x73: {  	s0 =	rddreg [dreg:$0x0];
	s2 =	stileid.u32  }
0x74: {  	s1 =	rddreg [dreg:$0x1];
	p0 =	sne.s32 s2, $0x0  }
0x75: {  	s3 =	rddreg [dreg:$0x2];
	[bflag:$0x3] =	sbarrier.arrive $0xFFFF;
	s2 =	simm.s32 @!p0 $0x1C01  }
0x76: {  	[timem:s3], [sflag:s2] =	dma.local @!p0 [hbm:s0], s1  }
0x77: {  	s0 =	simm.s32 @!p0 $0x1  }
0x78: {  	_ =	swait.ge @!p0 [sflag:s0], s1  }
0x79: {  	s1 =	ssub.s32 @!p0 $0x0, s1;
	[sflag:s0] =	ssyncset.done @!p0 $0x0  }
0x7a: {  	[sflag:s0] =	ssyncadd.s32 @!p0 s1  }
0x7b: {  	[bflag:$0x3] =	sbarrier.arrive $0xFFFF  }
0x7c: {  	_ =	shalt  }

// kernel: sparse-core-data-format-call.cloned.1.call-start
scs
called_computation_lowered:
.L_overlay_start_0:
0x0: {  	s2 =	sld [smem:$0x3FD9]  }
0x1: {  	s3 =	sld [smem:$0x3FFE];
	_ =	sdelay $0x1  }
0x2: {  	s1 =	srdreg.scid  }
0x3: {  	s0 =	sand.u32 $0x1, s1  }
0x4: {  	s15 =	sshll.u32 s0, $0xA;
	s2 =	sadd.s32 s3, s2  }
0x5: {  	s2 =	sadd.s32 s2, s15  }
0x6: {  	[smem:$0x3FC5] =	sst s2  }
0x7: {  	_ = 	snop  }
0x8: {  	s2 =	sld [smem:$0x3FD0];
	_ =	sdelay $0x2  }
0x9: {  	s16 =	simm.s32 $0xA;
	s4 =	simm.s32 $0x10  }
0xa: {  	[smem:s4], [sflag:s16] =	dma.local [hbm:s2], $0x1  }
0xb: {  	_ =	swait.eq [sflag:s16], $0x1  }
0xc: {  	[sflag:s16] =	ssyncset.done $0x0  }
0xd: {  	[sflag:s16] =	ssyncadd.s32 $0xFFFFFFFF  }
0xe: {  	s17 =	sld [smem:$0x10];
	(tm) =	ssettm $0x1  }
0xf: {  	s18 =	sld [smem:$0x3FFB];
	_ =	sdelay $0x3  }
0x10: {  	_ =	strace s18  }
0x11: {  	s3 =	sld [smem:$0x3FFC];
	_ =	sdelay $0x3  }
0x12: {  	_ =	strace s3  }
0x13: {  	s3 =	sld [smem:$0x3FFD];
	_ =	sdelay $0x3  }
0x14: {  	_ =	strace s3  }
0x15: {  	_ =	strace $0x8FFFFFFF  }
0x16: {  	s19 =	sld [smem:$0x3FDB];
	_ =	sdelay $0x1  }
0x17: {  	s20 =	simm.s32 $_scs_section_size  }
0x18: {  	s5 =	simm.s32 $_size__tile_overlayer_lowered;
	s6 =	simm.s32 $_tile_overlayer_lowered  }
0x19: {  	s23 =	simm.s32 $0x1BFF;
	s22 =	sshll.u32 s6, $0x1;
	s3 =	sadd.s32 s20, s19  }
0x1a: {  	s7 =	simm.s32 $0x0;
	s21 =	sshll.u32 s5, $0x1;
	s5 =	sadd.s32 s22, s3  }
0x1b: {  	[timem:s7], [sflag:s23] =	dma.local [hbm:s5], s21  }
0x1c: {  	_ =	swait.ge [sflag:s23], s21  }
0x1d: {  	s4 =	ssub.s32 $0x0, s21;
	[sflag:s23] =	ssyncset.done $0x0  }
0x1e: {  	[sflag:s23] =	ssyncadd.s32 s4;
	_ =	sdelay $0x1  }
0x1f: {  	s24 =	simm.s32 $0x1B8B  }
0x20: {  	_ =	swait.ge [sflag:s24], $0x1  }
0x21: {  	[sflag:s24] =	ssyncset.done $0x0  }
0x22: {  	s26 =	simm.s32 $0x1B8E;
	s25 =	sld [smem:$0x3FFE];
	[sflag:s24] =	ssyncadd.s32 $0xFFFFFFFF  }
0x23: {  	s27 =	simm.s32 $execute0_lowered;
	[smem:$0x3FD2] =	sst s26  }
0x24: {  	s5 =	sshll.u32 s27, $0x1;
	_ =	strace $0x80000049;
	[dreg:$0x1] =	wrdreg $0xFFFFFFFF  }
0x25: {  	s28 =	simm.s32 $_size_execute0_lowered;
	s3 =	sadd.s32 s3, s5;
	[dreg:$0x0] =	wrdreg $0x0  }
0x26: {  	s5 =	sshll.u32 s28, $0x1;
	[dreg:$0x2] =	wrdreg s3  }
0x27: {  	[dreg:$0x3] =	wrdreg s5  }
0x28: {  	[dreg:$0x4] =	wrdreg $0xC0  }
0x29: {  	_ =	task [dreg:s7], $0x5FFFF  }
0x2a: {  	[dreg:$0x1] =	wrdreg $0xFFFFFFFF  }
0x2b: {  	[dreg:$0x0] =	wrdreg $0x60  }
0x2c: {  	[dreg:$0x2] =	wrdreg s25  }
0x2d: {  	[dreg:$0x3] =	wrdreg s17  }
0x2e: {  	[dreg:$0x4] =	wrdreg $0x9  }
0x2f: {  	_ =	task.clear_ibuf [dreg:s7], $0x5FFFF;
	_ =	strace $0x90000049  }
0x30: {  	s29 =	simm.s32 $0x9;
	_ =	strace $0x8000004B  }
0x31: {  	_ =	swait.ge [sflag:s29], $0x1  }
0x32: {  	[sflag:s29] =	ssyncadd.s32 $0xFFFFFFFF  }
0x33: {  	_ =	strace $0x9000004B  }
0x34: {  	_ =	sfence  }
0x35: {  	s30 =	sld [smem:$0x0];
	_ =	sdelay $0x2  }
0x36: {  	s31 =	sshll.u32 s1, $0xD;
	s1 =	sshrl.u32 s1, $0x2  }
0x37: {  	s3 =	sand.u32 $0x4000, s31;
	s1 =	sadd.s32 s1, s30  }
0x38: {  	s0 =	sor.u32 s3, s0;
	s1 =	sshll.u32 s1, $0x11  }
0x39: {  	s0 =	sor.u32 s1, s0  }
0x3a: {  	s0 =	sadd.s32 $0x8F2B, s0  }
0x3b: {  	[sflag:s0] =	ssyncadd.remote.s32 $0x1  }
0x3c: {  	_ =	sfence.sel $0xFFFF  }
0x3d: {  	[dreg:$0x0] =	wrdreg $0xFFFFFFFF;
	(pc) =	sbr.abs _section_cstart, $3  }
0x3e: {  	[dreg:$0x1] =	wrdreg $0xFFFFFFFF  }
0x3f: {  	_ =	task.clear_ibuf [dreg:s7], $0x2FFFF;
	_ =	strace $0x9FFFFFFF  }
0x40: {  	(tm) =	ssettm $0x7FFFFFFF  }
0x41: {  	_ =	shalt  }
tec
execute0_lowered:
.L_overlay_start_1:
0x0: {  	(tag) =	ssettag $0x1  }
0x1: {  	s1 =	rddreg [dreg:$0x0]  }
0x2: {  	s2 =	rddreg [dreg:$0x1]  }
0x3: {  	s0 =	rddreg [dreg:$0x2]  }
0x4: {  	_ =	strace $0x8000004A;
	s4 =	srdreg.scid;
	s6 =	simm.s32 $0x2  }
0x5: {  	s12 =	simm.s32 $0x0;
	p0 =	por $0x0, $0x0;
	s13 =	simm.s32 $0x0  }
0x6: {  	s15 =	simm.s32 $0x0;
	s14 =	simm.s32 $0x0;
	s8 =	simm.s32 $0x0  }
.Ltmp0:
0x7: {  	s9 =	simm.s32 $0x0;
	s10 =	simm.s32 $0x0;
	(pc) =	sbr.rel .LBB1_1-.Ltmp0, $4  }
0x8: {  	s7 =	simm.s32 $0x0;
	s3 =	sadd.s32 $0xE00, s1;
	s5 =	sshll.u32 s4, $0x4  }
0x9: {  	s1 =	stileid.u32;
	s4 =	simm.s32 $0x1;
	s5 =	sand.u32 $0x10, s5  }
0xa: {  	s21 =	simm.s32 $0x0;
	[sflag:s4] =	ssyncpa.u1 $0x0;
	s5 =	sor.u32 s1, s5  }
0xb: {  	[sflag:s6] =	ssyncpa.u1 $0x0;
	s6 =	simm.s32 $0x2000;
	s11 =	smov.u32 s5  }
.LBB1_7:
0xc: {  	s16 =	sadd.s32 $0x100, s8  }
0xd: {  	s12 =	sadd.s32 $0x8, s9;
	s17 =	smov.u32 s9;
	p2 =	sgt.s32 s16, $0x3FF  }
0xe: {  	s17 =	smov.u32 @p2 s12  }
0xf: {  	s18 =	smov.u32 s10;
	s12 =	sadd.s32 $0x8, s10;
	p3 =	sgt.s32 s17, $0x7  }
0x10: {  	s18 =	smov.u32 @p3 s12  }
0x11: {  	s19 =	smov.u32 s11;
	s12 =	sadd.s32 $0x20, s11;
	p4 =	sgt.s32 s18, $0x7  }
0x12: {  	p1 =	slt.u32 s7, $0x2;
	s19 =	smov.u32 @p4 s12  }
0x13: {  	s7 =	sadd.s32 $0x1, s7;
	s16 =	simm.s32 @p2 $0x0;
	p2 =	sgt.s32 s19, $0x3FF  }
0x14: {  	s20 =	simm.s32 @!p1 $0x2;
	s19 =	smov.u32 @p2 s5;
	p2 =	sne.s32 s7, $0x82  }
.Ltmp1:
0x15: {  	s13 =	smov.u32 s9;
	_ =	swait.ge @!p1 [sflag:s20], $0x4000;
	(pc) =	sbr.rel @!p2 .LBB1_8-.Ltmp1, $4  }
0x16: {  	s15 =	smov.u32 s10;
	s14 =	smov.u32 s11;
	[sflag:s20] =	ssyncset.done @!p1 $0x0  }
0x17: {  	p0 =	por !p0, !p0;
	s17 =	simm.s32 @p3 $0x0;
	[sflag:s20] =	ssyncadd.s32 @!p1 $0xFFFFC000  }
0x18: {  	s9 =	smov.u32 s17;
	s18 =	simm.s32 @p4 $0x0;
	s12 =	smov.u32 s8  }
0x19: {  	s8 =	smov.u32 s16;
	s10 =	smov.u32 s18;
	s11 =	smov.u32 s19  }
.LBB1_1:
0x1a: {  	p1 =	sgt.u32 s7, $0x7F  }
0x1b: {  	s16 =	sxor.u32 @!p1 $0xFFFFFFFF, s7  }
0x1c: {  	s17 =	sshll.u32 @!p1 s9, $0x7;
	s18 =	sand.u32 @!p1 $0x78, s8;
	s19 =	sshll.u32 @!p1 s11, $0xD  }
0x1d: {  	s20 =	sand.u32 @!p1 $0x380, s8;
	s16 =	sshll.u32 @!p1 s16, $0xE;
	s17 =	sand.u32 @!p1 $0x380, s17  }
0x1e: {  	s19 =	sadd.s32 @!p1 s3, s19;
	s17 =	sor.u32 @!p1 s18, s17;
	s18 =	sshll.u32 @!p1 s10, $0xA  }
0x1f: {  	s16 =	sand.u32 @!p1 $0x4000, s16;
	s18 =	sadd.s32 @!p1 s18, s19;
	s19 =	sand.u32 @!p1 $0x7, s8  }
0x20: {  	s17 =	sshrl.u32 @!p1 s17, $0x3;
	s18 =	sadd.s32 @!p1 s20, s18;
	s19 =	sshll.u32 @!p1 s19, $0x12  }
0x21: {  	s17 =	sadd.s32 @!p1 s17, s18;
	s18 =	sor.u32 @!p1 $0x800, s19;
	s19 =	simm.s32 @!p1 $0x2000  }
0x22: {  	[tilespmem:s16], [sflag:$0x1] =	stream.strided.gather @!p1 [hbm4b:s17+s18], $0x4000, s19, s18, $0x38;
	[tilespmem:$0x10000] =	vst v63  }
0x23: {  	p1 =	seq.s32 s7, $0x0  }
0x24: {  	p2 =	seq.s32 @!p1 s7, $0x81  }
0x25: {  	p1 =	por p1, p2  }
.Ltmp2:
0x26: {  	_ = 	snop;
	(pc) =	sbr.rel @p1 .LBB1_7-.Ltmp2, $1  }
0x27: {  	_ =	sdelay $0x3  }
0x28: {  	s16 =	simm.s32 $0x1  }
0x29: {  	_ =	swait.ge [sflag:s4], $0x4000;
	s31 =	sshll.u32 s7, $0xE;
	p1 =	por $0x0, $0x0  }
0x2a: {  	s22 =	simm.s32 $0x0;
	s23 =	simm.s32 $0x0;
	s16 =	simm.s32 @!p0 $0x0  }
0x2b: {  	[sflag:s4] =	ssyncset.done $0x0;
	s19 =	sand.u32 $0x4000, s31;
	s16 =	sshll.u32 s16, $0x10  }
0x2c: {  	[sflag:s4] =	ssyncadd.s32 $0xFFFFC000;
	s20 =	sshrl.u32 s16, $0x2;
	s16 =	sor.u32 $0x8000, s19  }
0x2d: {  	s17 =	sor.u32 $0x40, s20;
	s18 =	sor.u32 $0x8410, s20;
	s20 =	sadd.s32 $0x8400, s20  }
.LBB1_3:
0x2e: {  	v1 =	vld [tilespmem:s17+$0xFFFFFFD0]  }
0x2f: {  	v2 =	vld [tilespmem:s17+$0x430]  }
0x30: {  	s24 =	sshll.u32 s23, $0xB;
	v4 =	vld [tilespmem:s17+$0xFFFFFFE0]  }
0x31: {  	v7 =	vld [tilespmem:s17+$0xFFFFFFF0];
	v0 =	vmov s24  }
0x32: {  	v8 =	vld [tilespmem:s17+$0x0]  }
0x33: {  	s30 =	sand.u32 $0x300, s21;
	v9 =	vld [tilespmem:s17+$0x10]  }
0x34: {  	s25 =	sand.u32 $0x80, s21;
	v10 =	vld [tilespmem:s17+$0x20];
	s24 =	sadd.s32 s30, s19  }
0x35: {  	v11 =	vld [tilespmem:s17+$0x30];
	s24 =	sadd.s32 s25, s24;
	s25 =	simm.s32 $0x1;
	[tilespmem:s18+$0x60] =	vst v2  }
0x36: {  	s31 =	sshll.u32 s22, $0x2;
	s25 =	simm.s32 @!p1 $0x0;
	[tilespmem:s18+$0xFFFFFC00] =	vst v1;
	v3 =	vld.idx.msk [tilespmem:v0+s24+$0x400 ss:$0x1], $0xffff  }
0x37: {  	v6 =	vld [tilespmem:s17+$0x3D0];
	s25 =	sshll.u32 s25, $0x9;
	[tilespmem:s18+$0xFFFFFC10] =	vst v4;
	s24 =	sand.u32 $0xFFFFFC00, s31  }
0x38: {  	v5 =	vld [tilespmem:s17+$0x3E0];
	[tilespmem:s18+$0xFFFFFC20] =	vst v7;
	s24 =	sor.u32 s25, s24  }
0x39: {  	[tilespmem:s18+$0xFFFFFC30] =	vst v8;
	v4 =	vld [tilespmem:s17+$0x400];
	s24 =	sshrl.u32 s24, $0x2  }
0x3a: {  	[tilespmem:s18+$0xFFFFFC40] =	vst v9;
	v1 =	vld [tilespmem:s17+$0x410];
	s24 =	sadd.s32 s24, s20  }
0x3b: {  	[tilespmem:s24+$0x0] =	vst v3;
	v3 =	vld [tilespmem:s17+$0x3F0]  }
0x3c: {  	s28 =	simm.s32 $0x80;
	s27 =	simm.s32 $0x100;
	[tilespmem:s18+$0xFFFFFC50] =	vst v10;
	v2 =	vld [tilespmem:s17+$0x420]  }
0x3d: {  	s26 =	smov.u32 s18;
	s29 =	sand.u32 $0x300, s28;
	v7 =	vld [tilespmem:s17+$0xFFFFFFC0];
	[tilespmem:s18+$0xFFFFFC60] =	vst v11;
	s25 =	sadd.s32 $0x80, s17  }
.LBB1_4:
0x3e: {  	p2 =	sne.s32 s27, $0x380;
	v8 =	vld [tilespmem:s25+$0xFFFFFFD0];
	s28 =	sand.u32 $0x80, s28;
	s29 =	sadd.s32 s29, s19;
	[tilespmem:s26+$0x0] =	vst v6  }
0x3f: {  	s29 =	sadd.s32 s28, s29;
	v6 =	vld [tilespmem:s25+$0x430];
	[tilespmem:s26+$0x10] =	vst v5;
	s28 =	smov.u32 s27  }
0x40: {  	v5 =	vld.idx.msk [tilespmem:v0+s29+$0x400 ss:$0x1], $0xffff;
	[tilespmem:s26+$0x20] =	vst v3  }
0x41: {  	v3 =	vld [tilespmem:s25+$0xFFFFFFE0];
	[tilespmem:s26+$0x30] =	vst v4  }
0x42: {  	v4 =	vld [tilespmem:s25+$0xFFFFFFF0];
	[tilespmem:s26+$0xFFFFFBF0] =	vst v7  }
0x43: {  	v7 =	vld [tilespmem:s25+$0x0];
	[tilespmem:s26+$0x40] =	vst v1  }
0x44: {  	v1 =	vld [tilespmem:s25+$0x10];
	[tilespmem:s26+$0x50] =	vst v2;
	s26 =	sadd.s32 $0x800, s26  }
0x45: {  	s24 =	sadd.s32 $0x800, s24;
	v2 =	vld [tilespmem:s25+$0x20];
	[tilespmem:s26+$0x60] =	vst v6  }
0x46: {  	v9 =	vld [tilespmem:s25+$0x30];
	[tilespmem:s24+$0x0] =	vst v5  }
0x47: {  	[tilespmem:s26+$0xFFFFFC00] =	vst v8;
	v6 =	vld [tilespmem:s25+$0x3D0]  }
0x48: {  	[tilespmem:s26+$0xFFFFFC10] =	vst v3;
	v5 =	vld [tilespmem:s25+$0x3E0]  }
.Ltmp3:
0x49: {  	[tilespmem:s26+$0xFFFFFC20] =	vst v4;
	v3 =	vld [tilespmem:s25+$0x3F0];
	(pc) =	sbr.rel @p2 .LBB1_4-.Ltmp3, $4  }
0x4a: {  	[tilespmem:s26+$0xFFFFFC30] =	vst v7;
	v4 =	vld [tilespmem:s25+$0x400]  }
0x4b: {  	[tilespmem:s26+$0xFFFFFC40] =	vst v1;
	v1 =	vld [tilespmem:s25+$0x410]  }
0x4c: {  	[tilespmem:s26+$0xFFFFFC50] =	vst v2;
	v2 =	vld [tilespmem:s25+$0x420]  }
0x4d: {  	s27 =	sadd.s32 $0x80, s27;
	s29 =	sand.u32 $0x300, s28;
	v7 =	vld [tilespmem:s25+$0xFFFFFFC0];
	[tilespmem:s26+$0xFFFFFC60] =	vst v9;
	s25 =	sadd.s32 $0x80, s25  }
0x4e: {  	[tilespmem:s26+$0x0] =	vst v6  }
0x4f: {  	[tilespmem:s26+$0x10] =	vst v5  }
0x50: {  	v49 =	vld [tilespmem:s25+$0x430];
	[tilespmem:s26+$0x20] =	vst v3  }
0x51: {  	v50 =	vld [tilespmem:s25+$0xFFFFFFD0];
	[tilespmem:s26+$0x30] =	vst v4  }
0x52: {  	v51 =	vld [tilespmem:s25+$0xFFFFFFE0];
	[tilespmem:s26+$0x40] =	vst v1  }
0x53: {  	v52 =	vld [tilespmem:s25+$0xFFFFFFF0];
	[tilespmem:s26+$0x50] =	vst v2  }
0x54: {  	s31 =	sadd.s32 $0x800, s26;
	v53 =	vld [tilespmem:s25+$0x0];
	[tilespmem:s26+$0xFFFFFBF0] =	vst v7  }
0x55: {  	v54 =	vld [tilespmem:s25+$0x10];
	[tilespmem:s31+$0x60] =	vst v49  }
0x56: {  	v55 =	vld [tilespmem:s25+$0x20];
	[tilespmem:s31+$0xFFFFFC00] =	vst v50  }
0x57: {  	v56 =	vld [tilespmem:s25+$0x30];
	[tilespmem:s31+$0xFFFFFC10] =	vst v51  }
0x58: {  	v57 =	vld [tilespmem:s25+$0x3D0];
	[tilespmem:s31+$0xFFFFFC20] =	vst v52  }
0x59: {  	v58 =	vld [tilespmem:s25+$0x3E0];
	[tilespmem:s31+$0xFFFFFC30] =	vst v53  }
0x5a: {  	v59 =	vld [tilespmem:s25+$0x3F0];
	[tilespmem:s31+$0xFFFFFC40] =	vst v54  }
0x5b: {  	v60 =	vld [tilespmem:s25+$0x400];
	[tilespmem:s31+$0xFFFFFC50] =	vst v55  }
0x5c: {  	v61 =	vld [tilespmem:s25+$0xFFFFFFC0];
	[tilespmem:s31+$0xFFFFFC60] =	vst v56  }
0x5d: {  	s27 =	sand.u32 $0x80, s28;
	s30 =	sadd.s32 s29, s19;
	v62 =	vld [tilespmem:s25+$0x410];
	[tilespmem:s31+$0x0] =	vst v57  }
0x5e: {  	v63 =	vld [tilespmem:s25+$0x420];
	s23 =	sadd.s32 $0x1, s23;
	s27 =	sadd.s32 s27, s30;
	[tilespmem:s31+$0x10] =	vst v58  }
0x5f: {  	p2 =	sne.s32 s23, $0x8;
	v0 =	vld.idx.msk [tilespmem:v0+s27+$0x400 ss:$0x1], $0xffff;
	[tilespmem:s31+$0x20] =	vst v59  }
.Ltmp4:
0x60: {  	[tilespmem:s31+$0x30] =	vst v60;
	(pc) =	sbr.rel @p2 .LBB1_3-.Ltmp4, $4  }
0x61: {  	[tilespmem:s31+$0xFFFFFBF0] =	vst v61  }
0x62: {  	[tilespmem:s31+$0x40] =	vst v62  }
0x63: {  	s24 =	sadd.s32 $0x800, s24;
	s17 =	sadd.s32 $0x800, s17;
	[tilespmem:s31+$0x50] =	vst v63  }
0x64: {  	s22 =	sadd.s32 $0x80, s22;
	p1 =	por !p1, !p1;
	s18 =	sadd.s32 $0x80, s18;
	[tilespmem:s24+$0x0] =	vst v0  }
0x65: {  	s15 =	sshll.u32 s15, $0x7;
	s17 =	sand.u32 $0x78, s12  }
0x66: {  	s14 =	sshll.u32 s14, $0xD;
	s13 =	sshll.u32 s13, $0xA;
	s29 =	sand.u32 $0x380, s12  }
.Ltmp5:
0x67: {  	s15 =	sand.u32 $0x380, s15;
	s14 =	sadd.s32 s2, s14;
	(pc) =	sbr.rel .LBB1_7-.Ltmp5, $4  }
0x68: {  	s30 =	sand.u32 $0x7, s12;
	s15 =	sor.u32 s15, s17;
	s13 =	sadd.s32 s13, s14  }
0x69: {  	s12 =	sshll.u32 s30, $0x12;
	s31 =	sshrl.u32 s15, $0x3;
	s13 =	sadd.s32 s29, s13  }
0x6a: {  	s12 =	sor.u32 $0x800, s12;
	s13 =	sadd.s32 s31, s13  }
0x6b: {  	[hbm4b:s13+s12] =	stream.strided.scatter [tilespmem:s16], [sflag:$0x2], $0x4000, s6, s12, $0x38;
	[tilespmem:$0x10000] =	vst v63  }
.LBB1_8:
0x6c: {  	_ =	sfence.sel $0x180000  }
0x6d: {  	s2 =	simm.s32 $0x1;
	[bflag:$0x0] =	sbarrier.arrive $0xFFFF  }
0x6e: {  	s31 =	simm.s32 $0x2;
	[sflag:s2] =	ssyncpa.u1 $0x1  }
0x6f: {  	[sflag:s31] =	ssyncpa.u1 $0x1  }
0x70: {  	p0 =	sne.s32 s1, $0x0;
	_ =	strace $0x9000004A  }
0x71: {  	s0 =	sadd.s32 @!p0 $0x100000, s0;
	[bflag:$0x2] =	sbarrier.arrive $0xFFFF  }
0x72: {  	[sflag:s0] =	ssyncadd.tile.s32 @!p0 $0x1;
	_ =	shalt  }
.Lfunc_end1:
_tile_overlayer_lowered:
.L_overlay_start_2:
0x73: {  	(tag) =	ssettag $0x2  }
0x74: {  	s0 =	rddreg [dreg:$0x0];
	s2 =	stileid.u32  }
0x75: {  	s1 =	rddreg [dreg:$0x1];
	p0 =	sne.s32 s2, $0x0  }
0x76: {  	s3 =	rddreg [dreg:$0x2];
	[bflag:$0x3] =	sbarrier.arrive $0xFFFF;
	s2 =	simm.s32 @!p0 $0x1C01  }
0x77: {  	[timem:s3], [sflag:s2] =	dma.local @!p0 [hbm:s0], s1  }
0x78: {  	s0 =	simm.s32 @!p0 $0x1  }
0x79: {  	_ =	swait.ge @!p0 [sflag:s0], s1  }
0x7a: {  	s1 =	ssub.s32 @!p0 $0x0, s1;
	[sflag:s0] =	ssyncset.done @!p0 $0x0  }
0x7b: {  	[sflag:s0] =	ssyncadd.s32 @!p0 s1  }
0x7c: {  	[bflag:$0x3] =	sbarrier.arrive $0xFFFF  }
0x7d: {  	_ =	shalt  }

</sc_bundles>
